<compile_context>
chip_gen: v7x
topology: tpu7x:2x2x1
jax: 0.10.2.dev20260603
libtpu: 0.0.44.dev20260713+nightly
codegen_flags: <defaults>
</compile_context>

<pallas_src>
import jax
import jax.numpy as jnp
from jax import lax
from jax.experimental import pallas as pl
from jax.experimental.pallas import tpu as pltpu
from jax.experimental.pallas import tpu_sc as plsc

_C = 8
_THR = 0.8
_L = 16
_NK = 4
_NB = 4


def _tc_body(w_ref, b_ref, x_hbm, lab_ref, out_ref,
             buf_ref, sum_ref, cnt_ref, sems):
    bi = pl.program_id(0)
    k = pl.program_id(1)
    i = bi * _NK + k
    nsteps = pl.num_programs(0) * _NK
    nch = buf_ref.shape[1]

    def _start(chunk, slot):
        bag = chunk // _NK
        kk = chunk % _NK
        pltpu.make_async_copy(
            x_hbm.at[bag, pl.ds(kk * nch, nch), :],
            buf_ref.at[slot],
            sems.at[slot],
        ).start()

    @pl.when(i == 0)
    def _prime():
        for j in range(_NB):
            _start(j, j)

    slot = lax.rem(i, _NB)
    pltpu.make_async_copy(
        x_hbm.at[bi, pl.ds(k * nch, nch), :],
        buf_ref.at[slot],
        sems.at[slot],
    ).wait()

    x = buf_ref[slot]
    lab = lab_ref[0]
    cid = jax.lax.broadcasted_iota(jnp.int32, (nch, _C), 1)
    onehot = (lab == cid).astype(jnp.float32)
    psum = jax.lax.dot_general(
        onehot, x, (((0,), (0,)), ((), ())),
        preferred_element_type=jnp.float32)
    ones = jnp.ones((nch, _C), jnp.float32)
    pcnt = jax.lax.dot_general(
        onehot, ones, (((0,), (0,)), ((), ())),
        preferred_element_type=jnp.float32)

    @pl.when(k == 0)
    def _init():
        sum_ref[...] = psum
        cnt_ref[...] = pcnt

    @pl.when(k != 0)
    def _acc():
        sum_ref[...] += psum
        cnt_ref[...] += pcnt

    nxt = i + _NB

    @pl.when(nxt < nsteps)
    def _refill():
        bag2 = lax.div(nxt, _NK)
        k2 = lax.rem(nxt, _NK)
        pltpu.make_async_copy(
            x_hbm.at[bag2, pl.ds(k2 * nch, nch), :],
            buf_ref.at[slot],
            sems.at[slot],
        ).start()

    @pl.when(k == _NK - 1)
    def _fin():
        cnt = jnp.maximum(cnt_ref[:, 0:1], 1.0)
        feats = sum_ref[...] / cnt
        logits = jax.lax.dot_general(
            feats, w_ref[...], (((1,), (0,)), ((), ())),
            preferred_element_type=jnp.float32)
        logits = logits + b_ref[...]
        out_ref[0] = jnp.pad(logits, ((0, 0), (0, 128 - logits.shape[1])))


def _sc_body(seg_hbm, feats_hbm, scores_hbm, rowv, outv):
    cidx = lax.axis_index("c")
    sidx = lax.axis_index("s")

    @pl.when(sidx < 4)
    def _leader():
        bag = cidx * 4 + sidx
        pltpu.sync_copy(seg_hbm.at[pl.ds(bag * _C * 128, _C * 128)], rowv)

        lane = lax.iota(jnp.int32, _L)
        base = lane * 128
        l0 = plsc.load_gather(rowv, [base])
        l1 = plsc.load_gather(rowv, [base + 1])

        m = jnp.maximum(l0, l1)
        e0 = jnp.exp(l0 - m)
        e1 = jnp.exp(l1 - m)
        sc = e1 / (e0 + e1)
        valid = lane < _C
        scm = jnp.where(valid, sc, -1.0)
        scp = jnp.where(valid, sc, 2.0)
        mx = jnp.max(scm)
        mn = jnp.min(scp)
        idx_max = plsc.all_reduce_ffs(scm == mx)
        idx_min = plsc.all_reduce_ffs(scp == mn)
        sel = jnp.where(mx < _THR, idx_min, idx_max)
        neg = jnp.float32(-3.0e38)
        l0s = jnp.max(jnp.where(lane == sel, l0, neg))
        l1s = jnp.max(jnp.where(lane == sel, l1, neg))
        outv[...] = jnp.where(lane == 0, l0s,
                              jnp.where(lane == 1, l1s, 0.0))
        pltpu.sync_copy(outv, feats_hbm.at[pl.ds(bag * _L, _L)])
        outv[...] = jnp.where(valid, sc, 0.0)
        pltpu.sync_copy(outv, scores_hbm.at[pl.ds(bag * _L, _L)])


def kernel(inst_feat, cluster_labels, W_head, b_head):
    B, N, D = inst_feat.shape
    ncls = W_head.shape[1]
    nch = N // _NK

    seg = pl.pallas_call(
        _tc_body,
        grid=(B, _NK),
        in_specs=[
            pl.BlockSpec((D, ncls), lambda b, k: (0, 0)),
            pl.BlockSpec((1, ncls), lambda b, k: (0, 0)),
            pl.BlockSpec(memory_space=pl.ANY),
            pl.BlockSpec((1, nch, 1), lambda b, k: (b, k, 0)),
        ],
        out_specs=pl.BlockSpec((1, _C, 128), lambda b, k: (b, 0, 0)),
        out_shape=jax.ShapeDtypeStruct((B, _C, 128), jnp.float32),
        scratch_shapes=[
            pltpu.VMEM((_NB, nch, D), jnp.float32),
            pltpu.VMEM((_C, D), jnp.float32),
            pltpu.VMEM((_C, _C), jnp.float32),
            pltpu.SemaphoreType.DMA((_NB,)),
        ],
    )(W_head, b_head.reshape(1, ncls), inst_feat,
      cluster_labels.reshape(B, N, 1))

    mesh = plsc.VectorSubcoreMesh(core_axis_name="c", subcore_axis_name="s")
    sc_call = pl.kernel(
        _sc_body,
        out_type=(
            jax.ShapeDtypeStruct((B * _L,), jnp.float32),
            jax.ShapeDtypeStruct((B * _L,), jnp.float32),
        ),
        mesh=mesh,
        compiler_params=pltpu.CompilerParams(needs_layout_passes=False),
        scratch_types=[
            pltpu.VMEM((_C * 128,), jnp.float32),
            pltpu.VMEM((_L,), jnp.float32),
        ],
    )
    featsp, scoresp = sc_call(seg.reshape(-1))
    feats = featsp.reshape(B, _L)[:, :ncls]
    scores = scoresp.reshape(B, _L)[:, :_C]
    return feats, scores

# --- scband reference (transcript-rebuilt; emitter-appended) ---
"""Pipeline reference for scband-rdd-transformer-61581241090557 (READ-ONLY COPY).

The authoritative reference and input builder live on the scoring server;
editing this copy changes nothing except your own understanding.
"""

import jax, jax.numpy as jnp
import numpy as np

B, N, D, C, NUM_CLASSES = 8, 4096, 768, 8, 2
NOR_INDEX = 0
THR = 0.8


def setup_inputs(seed: int = 0) -> dict:
    key = jax.random.key(seed)
    k1, k2, k3 = jax.random.split(key, 3)
    inst_feat = jax.random.normal(k1, (B, N, D), dtype=jnp.float32)
    cluster_labels = jax.random.randint(k2, (B, N), 0, C, dtype=jnp.int32)
    W_head = jax.random.normal(k3, (D, NUM_CLASSES), dtype=jnp.float32) * 0.02
    b_head = jnp.zeros((NUM_CLASSES,), dtype=jnp.float32)
    return {"inst_feat": inst_feat, "cluster_labels": cluster_labels, "W_head": W_head, "b_head": b_head}


def reference(inst_feat, cluster_labels, W_head, b_head):
    # cluster_classifier path with fixed cluster_num:
    # 1) per-cluster masked average pooling of instance features (get_cluster_feat_mask + avgpool)
    onehot = jax.nn.one_hot(cluster_labels, C, dtype=inst_feat.dtype)  # [B, N, C]
    counts = onehot.sum(axis=1)                                        # [B, C]
    sums = jnp.einsum('bnd,bnc->bcd', inst_feat, onehot)               # [B, C, D]
    feats = sums / jnp.maximum(counts[..., None], 1.0)                 # [B, C, D]
    # 2) classify each cluster feature (self.head)
    logits = feats.reshape(B * C, D) @ W_head + b_head                 # [B*C, NUM_CLASSES]
    probs = jax.nn.softmax(logits, axis=-1)
    # nor_index >= 0 branch: score = 1 - P(normal)
    scores = (1.0 - probs[:, NOR_INDEX]).reshape(B, C)                 # [B, C]
    # 3) top-1 masking: scatter a one-hot mask at the argmax cluster
    max_idx = jnp.argmax(scores, axis=1)                               # [B]
    min_idx = jnp.argmin(scores, axis=1)                               # [B]
    sel_scores = jnp.take_along_axis(scores, max_idx[:, None], axis=1)[:, 0]
    # eval-mode flip selection: if best score < thr, pick argmin cluster instead
    sel_idx = jnp.where(sel_scores < THR, min_idx, max_idx)            # [B]
    logits_b = logits.reshape(B, C, NUM_CLASSES)
    feats_sel = jnp.take_along_axis(logits_b, sel_idx[:, None, None], axis=1)[:, 0, :]
    return feats_sel.reshape(B, -1), scores

if __name__ == "__main__":
    import jax
    _d = setup_inputs()
    print(jax.jit(kernel)(*tuple(_d.values())))

</pallas_src>

<mosaic_0001>
#map = affine_map<(d0, d1) -> (0)>
module attributes {stable_mosaic.version = 14 : i64} {
  func.func @_sc_body(%arg0: i32, %arg1: i32, %arg2: memref<8192xf32, #tpu.memory_space<hbm>>, %arg3: memref<128xf32, #tpu.memory_space<hbm>>, %arg4: memref<128xf32, #tpu.memory_space<hbm>>, %arg5: memref<1024xf32, #tpu.memory_space<vmem>>, %arg6: memref<16xf32, #tpu.memory_space<vmem>>) attributes {dimension_semantics = [#tpu.dimension_semantics<core_parallel>, #tpu.dimension_semantics<subcore_parallel>], iteration_bounds = array<i64: 2, 16>, scalar_prefetch = 0 : i64, scratch_operands = 2 : i64, tpu.core_type = #tpu.core_type<sc_vector_subcore>, window_params = [{transform_indices = #map}, {transform_indices = #map}, {transform_indices = #map}]} {
    %lt3A = arith.constant 4 : i32
    %lt3A_0 = arith.cmpi slt, %arg1, %lt3A : i32
    %convert_element_type3A = arith.extui %lt3A_0 : i1 to i32
    %cond3A = arith.constant 0 : i32
    %cond3A_1 = arith.cmpi ne, %convert_element_type3A, %cond3A : i32
    scf.if %cond3A_1 {
      %mul3A = arith.constant 4 : i32
      %mul3A_2 = arith.muli %arg0, %mul3A : i32
      %add3A = arith.addi %mul3A_2, %arg1 : i32
      %mul3A_3 = arith.constant 8 : i32
      %mul3A_4 = arith.muli %add3A, %mul3A_3 : i32
      %mul3A_5 = arith.constant 128 : i32
      %mul3A_6 = arith.muli %mul3A_4, %mul3A_5 : i32
      "tpu.region"() ({
        %run_scoped3A = tpu.sem_alloc : memref<!tpu.dma_semaphore, #tpu.memory_space<semaphore_mem>>
        %dma_start3A = tpu.memref_slice %arg2[%mul3A_6] : memref<8192xf32, #tpu.memory_space<hbm>> -> memref<1024xf32, #tpu.memory_space<hbm>>
        %dma_start3A_74 = tpu.memref_slice %arg2[%mul3A_6] : memref<8192xf32, #tpu.memory_space<hbm>> -> memref<1024xf32, #tpu.memory_space<hbm>>
        tpu.enqueue_dma source(%dma_start3A_74 : memref<1024xf32, #tpu.memory_space<hbm>>) target(%arg5 : memref<1024xf32, #tpu.memory_space<vmem>>) target_semaphore(%run_scoped3A : memref<!tpu.dma_semaphore, #tpu.memory_space<semaphore_mem>>)
        %dma_wait3A = tpu.memref_slice %arg2[%mul3A_6] : memref<8192xf32, #tpu.memory_space<hbm>> -> memref<1024xf32, #tpu.memory_space<hbm>>
        %dma_wait3A_75 = tpu.memref_slice %arg2[%mul3A_6] : memref<8192xf32, #tpu.memory_space<hbm>> -> memref<1024xf32, #tpu.memory_space<hbm>>
        tpu.wait_dma2 semaphore(%run_scoped3A : memref<!tpu.dma_semaphore, #tpu.memory_space<semaphore_mem>>) src(%dma_wait3A_75 : memref<1024xf32, #tpu.memory_space<hbm>>) dst(%arg5 : memref<1024xf32, #tpu.memory_space<vmem>>)
        tpu.yield
      }) : () -> ()
      %iota3A = tpu.iota {dimensions = array<i32: 0>} : vector<16xi32>
      %mul3A_7 = arith.constant 128 : i32
      %mul3A_8 = vector.broadcast %mul3A_7 : i32 to vector<16xi32>
      %mul3A_9 = arith.muli %iota3A, %mul3A_8 : vector<16xi32>
      %gather3A = tpu.vector_load_idx %arg5[%mul3A_9] : memref<1024xf32, #tpu.memory_space<vmem>>[vector<16xi32>], vector<16xf32>,
      %add3A_10 = arith.constant 1 : i32
      %add3A_11 = vector.broadcast %add3A_10 : i32 to vector<16xi32>
      %add3A_12 = arith.addi %mul3A_9, %add3A_11 : vector<16xi32>
      %gather3A_13 = tpu.vector_load_idx %arg5[%add3A_12] : memref<1024xf32, #tpu.memory_space<vmem>>[vector<16xi32>], vector<16xf32>,
      %max3A = arith.maximumf %gather3A, %gather3A_13 : vector<16xf32>
      %sub3A = arith.subf %gather3A, %max3A : vector<16xf32>
      %exp3A = math.exp %sub3A : vector<16xf32>
      %sub3A_14 = arith.subf %gather3A_13, %max3A : vector<16xf32>
      %exp3A_15 = math.exp %sub3A_14 : vector<16xf32>
      %add3A_16 = arith.addf %exp3A, %exp3A_15 : vector<16xf32>
      %div3A = arith.divf %exp3A_15, %add3A_16 : vector<16xf32>
      %lt3A_17 = arith.constant 8 : i32
      %lt3A_18 = vector.broadcast %lt3A_17 : i32 to vector<16xi32>
      %lt3A_19 = arith.cmpi slt, %iota3A, %lt3A_18 : vector<16xi32>
      %jit3A = arith.constant -1.000000e+00 : f32
      %broadcast_in_dim3A = vector.broadcast %jit3A : f32 to vector<16xf32>
      %select_n3A = arith.select %lt3A_19, %div3A, %broadcast_in_dim3A : vector<16xi1>, vector<16xf32>
      %jit3A_20 = arith.constant 2.000000e+00 : f32
      %broadcast_in_dim3A_21 = vector.broadcast %jit3A_20 : f32 to vector<16xf32>
      %select_n3A_22 = arith.select %lt3A_19, %div3A, %broadcast_in_dim3A_21 : vector<16xi1>, vector<16xf32>
      %reduce_max3A = arith.constant true
      %reduce_max3A_23 = vector.broadcast %reduce_max3A : i1 to vector<16xi1>
      %reduce_max3A_24 = tpu.scan <max>, %select_n3A masked %reduce_max3A_23 : vector<16xf32>, vector<16xi1> -> vector<16xf32>
      %reduce_max3A_25 = vector.extract %reduce_max3A_24[15] : f32 from vector<16xf32>
      %reduce_min3A = arith.constant true
      %reduce_min3A_26 = vector.broadcast %reduce_min3A : i1 to vector<16xi1>
      %reduce_min3A_27 = tpu.scan <min>, %select_n3A_22 masked %reduce_min3A_26 : vector<16xf32>, vector<16xi1> -> vector<16xf32>
      %reduce_min3A_28 = vector.extract %reduce_min3A_27[15] : f32 from vector<16xf32>
      %eq3A = vector.broadcast %reduce_max3A_25 : f32 to vector<16xf32>
      %eq3A_29 = arith.cmpf oeq, %select_n3A, %eq3A : vector<16xf32>
      %all_reduce_ffs3A = tpu.all_reduce %eq3A_29 {dim = 0 : i64, kind = #tpu.reduction_kind<find_first_set>} : vector<16xi1> -> vector<16xi32>
      %eq3A_30 = vector.broadcast %reduce_min3A_28 : f32 to vector<16xf32>
      %eq3A_31 = arith.cmpf oeq, %select_n3A_22, %eq3A_30 : vector<16xf32>
      %all_reduce_ffs3A_32 = tpu.all_reduce %eq3A_31 {dim = 0 : i64, kind = #tpu.reduction_kind<find_first_set>} : vector<16xi1> -> vector<16xi32>
      %lt3A_33 = arith.constant 8.000000e-01 : f32
      %lt3A_34 = arith.cmpf olt, %reduce_max3A_25, %lt3A_33 : f32
      %select_n3A_35 = arith.select %lt3A_34, %all_reduce_ffs3A_32, %all_reduce_ffs3A : vector<16xi32>
      %eq3A_36 = arith.cmpi eq, %iota3A, %select_n3A_35 : vector<16xi32>
      %jit3A_37 = arith.constant -3.000000e+38 : f32
      %broadcast_in_dim3A_38 = vector.broadcast %jit3A_37 : f32 to vector<16xf32>
      %select_n3A_39 = arith.select %eq3A_36, %gather3A, %broadcast_in_dim3A_38 : vector<16xi1>, vector<16xf32>
      %reduce_max3A_40 = arith.constant true
      %reduce_max3A_41 = vector.broadcast %reduce_max3A_40 : i1 to vector<16xi1>
      %reduce_max3A_42 = tpu.scan <max>, %select_n3A_39 masked %reduce_max3A_41 : vector<16xf32>, vector<16xi1> -> vector<16xf32>
      %reduce_max3A_43 = vector.extract %reduce_max3A_42[15] : f32 from vector<16xf32>
      %eq3A_44 = arith.cmpi eq, %iota3A, %select_n3A_35 : vector<16xi32>
      %jit3A_45 = arith.constant -3.000000e+38 : f32
      %broadcast_in_dim3A_46 = vector.broadcast %jit3A_45 : f32 to vector<16xf32>
      %select_n3A_47 = arith.select %eq3A_44, %gather3A_13, %broadcast_in_dim3A_46 : vector<16xi1>, vector<16xf32>
      %reduce_max3A_48 = arith.constant true
      %reduce_max3A_49 = vector.broadcast %reduce_max3A_48 : i1 to vector<16xi1>
      %reduce_max3A_50 = tpu.scan <max>, %select_n3A_47 masked %reduce_max3A_49 : vector<16xf32>, vector<16xi1> -> vector<16xf32>
      %reduce_max3A_51 = vector.extract %reduce_max3A_50[15] : f32 from vector<16xf32>
      %eq3A_52 = arith.constant 0 : i32
      %eq3A_53 = vector.broadcast %eq3A_52 : i32 to vector<16xi32>
      %eq3A_54 = arith.cmpi eq, %iota3A, %eq3A_53 : vector<16xi32>
      %eq3A_55 = arith.constant 1 : i32
      %eq3A_56 = vector.broadcast %eq3A_55 : i32 to vector<16xi32>
      %eq3A_57 = arith.cmpi eq, %iota3A, %eq3A_56 : vector<16xi32>
      %jit3A_58 = arith.constant 0.000000e+00 : f32
      %broadcast_in_dim3A_59 = vector.broadcast %reduce_max3A_51 : f32 to vector<16xf32>
      %broadcast_in_dim3A_60 = vector.broadcast %jit3A_58 : f32 to vector<16xf32>
      %select_n3A_61 = arith.select %eq3A_57, %broadcast_in_dim3A_59, %broadcast_in_dim3A_60 : vector<16xi1>, vector<16xf32>
      %broadcast_in_dim3A_62 = vector.broadcast %reduce_max3A_43 : f32 to vector<16xf32>
      %select_n3A_63 = arith.select %eq3A_54, %broadcast_in_dim3A_62, %select_n3A_61 : vector<16xi1>, vector<16xf32>
      %swap3A = arith.constant 0 : index
      %swap3A_64 = tpu.vector_load %arg6[%swap3A] {strides = array<i32>} : memref<16xf32, #tpu.memory_space<vmem>>, vector<16xf32>,
      tpu.vector_store %arg6[%swap3A], %select_n3A_63 {strides = array<i32>} : memref<16xf32, #tpu.memory_space<vmem>>, vector<16xf32>,
      %mul3A_65 = arith.constant 16 : i32
      %mul3A_66 = arith.muli %add3A, %mul3A_65 : i32
      "tpu.region"() ({
        %run_scoped3A = tpu.sem_alloc : memref<!tpu.dma_semaphore, #tpu.memory_space<semaphore_mem>>
        %dma_start3A = tpu.memref_slice %arg3[%mul3A_66] : memref<128xf32, #tpu.memory_space<hbm>> -> memref<16xf32, #tpu.memory_space<hbm>>
        %dma_start3A_74 = tpu.memref_slice %arg3[%mul3A_66] : memref<128xf32, #tpu.memory_space<hbm>> -> memref<16xf32, #tpu.memory_space<hbm>>
        tpu.enqueue_dma source(%arg6 : memref<16xf32, #tpu.memory_space<vmem>>) target(%dma_start3A_74 : memref<16xf32, #tpu.memory_space<hbm>>) target_semaphore(%run_scoped3A : memref<!tpu.dma_semaphore, #tpu.memory_space<semaphore_mem>>)
        %dma_wait3A = tpu.memref_slice %arg3[%mul3A_66] : memref<128xf32, #tpu.memory_space<hbm>> -> memref<16xf32, #tpu.memory_space<hbm>>
        %dma_wait3A_75 = tpu.memref_slice %arg3[%mul3A_66] : memref<128xf32, #tpu.memory_space<hbm>> -> memref<16xf32, #tpu.memory_space<hbm>>
        tpu.wait_dma2 semaphore(%run_scoped3A : memref<!tpu.dma_semaphore, #tpu.memory_space<semaphore_mem>>) src(%arg6 : memref<16xf32, #tpu.memory_space<vmem>>) dst(%dma_wait3A_75 : memref<16xf32, #tpu.memory_space<hbm>>)
        tpu.yield
      }) : () -> ()
      %jit3A_67 = arith.constant 0.000000e+00 : f32
      %broadcast_in_dim3A_68 = vector.broadcast %jit3A_67 : f32 to vector<16xf32>
      %select_n3A_69 = arith.select %lt3A_19, %div3A, %broadcast_in_dim3A_68 : vector<16xi1>, vector<16xf32>
      %swap3A_70 = arith.constant 0 : index
      %swap3A_71 = tpu.vector_load %arg6[%swap3A_70] {strides = array<i32>} : memref<16xf32, #tpu.memory_space<vmem>>, vector<16xf32>,
      tpu.vector_store %arg6[%swap3A_70], %select_n3A_69 {strides = array<i32>} : memref<16xf32, #tpu.memory_space<vmem>>, vector<16xf32>,
      %mul3A_72 = arith.constant 16 : i32
      %mul3A_73 = arith.muli %add3A, %mul3A_72 : i32
      "tpu.region"() ({
        %run_scoped3A = tpu.sem_alloc : memref<!tpu.dma_semaphore, #tpu.memory_space<semaphore_mem>>
        %dma_start3A = tpu.memref_slice %arg4[%mul3A_73] : memref<128xf32, #tpu.memory_space<hbm>> -> memref<16xf32, #tpu.memory_space<hbm>>
        %dma_start3A_74 = tpu.memref_slice %arg4[%mul3A_73] : memref<128xf32, #tpu.memory_space<hbm>> -> memref<16xf32, #tpu.memory_space<hbm>>
        tpu.enqueue_dma source(%arg6 : memref<16xf32, #tpu.memory_space<vmem>>) target(%dma_start3A_74 : memref<16xf32, #tpu.memory_space<hbm>>) target_semaphore(%run_scoped3A : memref<!tpu.dma_semaphore, #tpu.memory_space<semaphore_mem>>)
        %dma_wait3A = tpu.memref_slice %arg4[%mul3A_73] : memref<128xf32, #tpu.memory_space<hbm>> -> memref<16xf32, #tpu.memory_space<hbm>>
        %dma_wait3A_75 = tpu.memref_slice %arg4[%mul3A_73] : memref<128xf32, #tpu.memory_space<hbm>> -> memref<16xf32, #tpu.memory_space<hbm>>
        tpu.wait_dma2 semaphore(%run_scoped3A : memref<!tpu.dma_semaphore, #tpu.memory_space<semaphore_mem>>) src(%arg6 : memref<16xf32, #tpu.memory_space<vmem>>) dst(%dma_wait3A_75 : memref<16xf32, #tpu.memory_space<hbm>>)
        tpu.yield
      }) : () -> ()
    } else {
    }
    return
  }
}

module attributes {stable_mosaic.version = 14 : i64} {
  func.func @_tc_body(%arg0: i32, %arg1: i32, %arg2: memref<768x2xf32, #tpu.memory_space<vmem>>, %arg3: memref<1x2xf32, #tpu.memory_space<vmem>>, %arg4: memref<8x4096x768xf32, #tpu.memory_space<any>>, %arg5: memref<1x1024x1xi32, #tpu.memory_space<vmem>>, %arg6: memref<1x8x128xf32, #tpu.memory_space<vmem>>, %arg7: memref<4x1024x768xf32, #tpu.memory_space<vmem>>, %arg8: memref<8x768xf32, #tpu.memory_space<vmem>>, %arg9: memref<8x8xf32, #tpu.memory_space<vmem>>, %arg10: memref<4x!tpu.dma_semaphore, #tpu.memory_space<semaphore_mem>>) attributes {dimension_semantics = [#tpu.dimension_semantics<arbitrary>, #tpu.dimension_semantics<arbitrary>], iteration_bounds = array<i64: 8, 4>, scalar_prefetch = 0 : i64, scratch_operands = 4 : i64, tpu.core_type = #tpu.core_type<tc>, window_params = [{pipeline_mode = #tpu.pipeline_mode<synchronous>, transform_indices = @transform_0, window_bounds = array<i64: 768, 2>}, {pipeline_mode = #tpu.pipeline_mode<synchronous>, transform_indices = @transform_1, window_bounds = array<i64: 1, 2>}, {}, {transform_indices = @transform_3, window_bounds = array<i64: 1, 1024, 1>}, {transform_indices = @transform_4, window_bounds = array<i64: 1, 8, 128>}]} {
    %mul3A = arith.constant 4 : i32
    %mul3A_0 = arith.muli %arg0, %mul3A : i32
    %add3A = arith.addi %mul3A_0, %arg1 : i32
    %eq3A = arith.constant 0 : i32
    %eq3A_1 = arith.cmpi eq, %add3A, %eq3A : i32
    %convert_element_type3A = arith.extui %eq3A_1 : i1 to i32
    %cond3A = arith.constant 0 : i32
    %cond3A_2 = arith.cmpi ne, %convert_element_type3A, %cond3A : i32
    scf.if %cond3A_2 {
      %dma_start3A = arith.constant 0 : i32
      %dma_start3A_51 = arith.constant 0 : i32
      %dma_start3A_52 = arith.constant 0 : i32
      %dma_start3A_53 = tpu.memref_slice %arg10[%dma_start3A_52] : memref<4x!tpu.dma_semaphore, #tpu.memory_space<semaphore_mem>> -> memref<1x!tpu.dma_semaphore, #tpu.memory_space<semaphore_mem>>
      %dma_start3A_54 = tpu.memref_squeeze %dma_start3A_53 : memref<1x!tpu.dma_semaphore, #tpu.memory_space<semaphore_mem>> -> memref<!tpu.dma_semaphore, #tpu.memory_space<semaphore_mem>>
      %dma_start3A_55 = arith.constant 0 : i32
      %dma_start3A_56 = arith.constant 0 : i32
      %dma_start3A_57 = tpu.memref_slice %arg7[%dma_start3A_51, %dma_start3A_55, %dma_start3A_56] : memref<4x1024x768xf32, #tpu.memory_space<vmem>> -> memref<1x1024x768xf32, #tpu.memory_space<vmem>>
      %dma_start3A_58 = tpu.memref_squeeze %dma_start3A_57 : memref<1x1024x768xf32, #tpu.memory_space<vmem>> -> memref<1024x768xf32, #tpu.memory_space<vmem>>
      %dma_start3A_59 = arith.constant 0 : i32
      %dma_start3A_60 = arith.constant 0 : i32
      %dma_start3A_61 = tpu.memref_slice %arg4[%dma_start3A, %dma_start3A_59, %dma_start3A_60] : memref<8x4096x768xf32, #tpu.memory_space<any>> -> memref<1x1024x768xf32, #tpu.memory_space<any>>
      %dma_start3A_62 = tpu.memref_squeeze %dma_start3A_61 : memref<1x1024x768xf32, #tpu.memory_space<any>> -> memref<1024x768xf32, #tpu.memory_space<any>>
      tpu.enqueue_dma source(%dma_start3A_62 : memref<1024x768xf32, #tpu.memory_space<any>>) target(%dma_start3A_58 : memref<1024x768xf32, #tpu.memory_space<vmem>>) target_semaphore(%dma_start3A_54 : memref<!tpu.dma_semaphore, #tpu.memory_space<semaphore_mem>>)
      %dma_start3A_63 = arith.constant 0 : i32
      %dma_start3A_64 = arith.constant 1 : i32
      %dma_start3A_65 = arith.constant 1 : i32
      %dma_start3A_66 = tpu.memref_slice %arg10[%dma_start3A_65] : memref<4x!tpu.dma_semaphore, #tpu.memory_space<semaphore_mem>> -> memref<1x!tpu.dma_semaphore, #tpu.memory_space<semaphore_mem>>
      %dma_start3A_67 = tpu.memref_squeeze %dma_start3A_66 : memref<1x!tpu.dma_semaphore, #tpu.memory_space<semaphore_mem>> -> memref<!tpu.dma_semaphore, #tpu.memory_space<semaphore_mem>>
      %dma_start3A_68 = arith.constant 0 : i32
      %dma_start3A_69 = arith.constant 0 : i32
      %dma_start3A_70 = tpu.memref_slice %arg7[%dma_start3A_64, %dma_start3A_68, %dma_start3A_69] : memref<4x1024x768xf32, #tpu.memory_space<vmem>> -> memref<1x1024x768xf32, #tpu.memory_space<vmem>>
      %dma_start3A_71 = tpu.memref_squeeze %dma_start3A_70 : memref<1x1024x768xf32, #tpu.memory_space<vmem>> -> memref<1024x768xf32, #tpu.memory_space<vmem>>
      %dma_start3A_72 = arith.constant 1024 : i32
      %dma_start3A_73 = arith.constant 0 : i32
      %dma_start3A_74 = tpu.memref_slice %arg4[%dma_start3A_63, %dma_start3A_72, %dma_start3A_73] : memref<8x4096x768xf32, #tpu.memory_space<any>> -> memref<1x1024x768xf32, #tpu.memory_space<any>>
      %dma_start3A_75 = tpu.memref_squeeze %dma_start3A_74 : memref<1x1024x768xf32, #tpu.memory_space<any>> -> memref<1024x768xf32, #tpu.memory_space<any>>
      tpu.enqueue_dma source(%dma_start3A_75 : memref<1024x768xf32, #tpu.memory_space<any>>) target(%dma_start3A_71 : memref<1024x768xf32, #tpu.memory_space<vmem>>) target_semaphore(%dma_start3A_67 : memref<!tpu.dma_semaphore, #tpu.memory_space<semaphore_mem>>)
      %dma_start3A_76 = arith.constant 0 : i32
      %dma_start3A_77 = arith.constant 2 : i32
      %dma_start3A_78 = arith.constant 2 : i32
      %dma_start3A_79 = tpu.memref_slice %arg10[%dma_start3A_78] : memref<4x!tpu.dma_semaphore, #tpu.memory_space<semaphore_mem>> -> memref<1x!tpu.dma_semaphore, #tpu.memory_space<semaphore_mem>>
      %dma_start3A_80 = tpu.memref_squeeze %dma_start3A_79 : memref<1x!tpu.dma_semaphore, #tpu.memory_space<semaphore_mem>> -> memref<!tpu.dma_semaphore, #tpu.memory_space<semaphore_mem>>
      %dma_start3A_81 = arith.constant 0 : i32
      %dma_start3A_82 = arith.constant 0 : i32
      %dma_start3A_83 = tpu.memref_slice %arg7[%dma_start3A_77, %dma_start3A_81, %dma_start3A_82] : memref<4x1024x768xf32, #tpu.memory_space<vmem>> -> memref<1x1024x768xf32, #tpu.memory_space<vmem>>
      %dma_start3A_84 = tpu.memref_squeeze %dma_start3A_83 : memref<1x1024x768xf32, #tpu.memory_space<vmem>> -> memref<1024x768xf32, #tpu.memory_space<vmem>>
      %dma_start3A_85 = arith.constant 2048 : i32
      %dma_start3A_86 = arith.constant 0 : i32
      %dma_start3A_87 = tpu.memref_slice %arg4[%dma_start3A_76, %dma_start3A_85, %dma_start3A_86] : memref<8x4096x768xf32, #tpu.memory_space<any>> -> memref<1x1024x768xf32, #tpu.memory_space<any>>
      %dma_start3A_88 = tpu.memref_squeeze %dma_start3A_87 : memref<1x1024x768xf32, #tpu.memory_space<any>> -> memref<1024x768xf32, #tpu.memory_space<any>>
      tpu.enqueue_dma source(%dma_start3A_88 : memref<1024x768xf32, #tpu.memory_space<any>>) target(%dma_start3A_84 : memref<1024x768xf32, #tpu.memory_space<vmem>>) target_semaphore(%dma_start3A_80 : memref<!tpu.dma_semaphore, #tpu.memory_space<semaphore_mem>>)
      %dma_start3A_89 = arith.constant 0 : i32
      %dma_start3A_90 = arith.constant 3 : i32
      %dma_start3A_91 = arith.constant 3 : i32
      %dma_start3A_92 = tpu.memref_slice %arg10[%dma_start3A_91] : memref<4x!tpu.dma_semaphore, #tpu.memory_space<semaphore_mem>> -> memref<1x!tpu.dma_semaphore, #tpu.memory_space<semaphore_mem>>
      %dma_start3A_93 = tpu.memref_squeeze %dma_start3A_92 : memref<1x!tpu.dma_semaphore, #tpu.memory_space<semaphore_mem>> -> memref<!tpu.dma_semaphore, #tpu.memory_space<semaphore_mem>>
      %dma_start3A_94 = arith.constant 0 : i32
      %dma_start3A_95 = arith.constant 0 : i32
      %dma_start3A_96 = tpu.memref_slice %arg7[%dma_start3A_90, %dma_start3A_94, %dma_start3A_95] : memref<4x1024x768xf32, #tpu.memory_space<vmem>> -> memref<1x1024x768xf32, #tpu.memory_space<vmem>>
      %dma_start3A_97 = tpu.memref_squeeze %dma_start3A_96 : memref<1x1024x768xf32, #tpu.memory_space<vmem>> -> memref<1024x768xf32, #tpu.memory_space<vmem>>
      %dma_start3A_98 = arith.constant 3072 : i32
      %dma_start3A_99 = arith.constant 0 : i32
      %dma_start3A_100 = tpu.memref_slice %arg4[%dma_start3A_89, %dma_start3A_98, %dma_start3A_99] : memref<8x4096x768xf32, #tpu.memory_space<any>> -> memref<1x1024x768xf32, #tpu.memory_space<any>>
      %dma_start3A_101 = tpu.memref_squeeze %dma_start3A_100 : memref<1x1024x768xf32, #tpu.memory_space<any>> -> memref<1024x768xf32, #tpu.memory_space<any>>
      tpu.enqueue_dma source(%dma_start3A_101 : memref<1024x768xf32, #tpu.memory_space<any>>) target(%dma_start3A_97 : memref<1024x768xf32, #tpu.memory_space<vmem>>) target_semaphore(%dma_start3A_93 : memref<!tpu.dma_semaphore, #tpu.memory_space<semaphore_mem>>)
    } else {
    }
    %rem3A = arith.constant 4 : i32
    %rem3A_3 = arith.remsi %add3A, %rem3A : i32
    %mul3A_4 = arith.constant 1024 : i32
    %mul3A_5 = arith.muli %arg1, %mul3A_4 : i32
    %dma_wait3A = tpu.memref_slice %arg10[%rem3A_3] : memref<4x!tpu.dma_semaphore, #tpu.memory_space<semaphore_mem>> -> memref<1x!tpu.dma_semaphore, #tpu.memory_space<semaphore_mem>>
    %dma_wait3A_6 = tpu.memref_squeeze %dma_wait3A : memref<1x!tpu.dma_semaphore, #tpu.memory_space<semaphore_mem>> -> memref<!tpu.dma_semaphore, #tpu.memory_space<semaphore_mem>>
    %dma_wait3A_7 = arith.constant 0 : i32
    %dma_wait3A_8 = arith.constant 0 : i32
    %dma_wait3A_9 = tpu.memref_slice %arg7[%rem3A_3, %dma_wait3A_7, %dma_wait3A_8] : memref<4x1024x768xf32, #tpu.memory_space<vmem>> -> memref<1x1024x768xf32, #tpu.memory_space<vmem>>
    %dma_wait3A_10 = tpu.memref_squeeze %dma_wait3A_9 : memref<1x1024x768xf32, #tpu.memory_space<vmem>> -> memref<1024x768xf32, #tpu.memory_space<vmem>>
    %dma_wait3A_11 = arith.constant 0 : i32
    %dma_wait3A_12 = tpu.memref_slice %arg4[%arg0, %mul3A_5, %dma_wait3A_11] : memref<8x4096x768xf32, #tpu.memory_space<any>> -> memref<1x1024x768xf32, #tpu.memory_space<any>>
    %dma_wait3A_13 = tpu.memref_squeeze %dma_wait3A_12 : memref<1x1024x768xf32, #tpu.memory_space<any>> -> memref<1024x768xf32, #tpu.memory_space<any>>
    tpu.wait_dma2 semaphore(%dma_wait3A_6 : memref<!tpu.dma_semaphore, #tpu.memory_space<semaphore_mem>>) src(%dma_wait3A_13 : memref<1024x768xf32, #tpu.memory_space<any>>) dst(%dma_wait3A_10 : memref<1024x768xf32, #tpu.memory_space<vmem>>)
    %get3A = arith.index_cast %rem3A_3 : i32 to index
    %get3A_14 = arith.constant 0 : index
    %get3A_15 = arith.constant 0 : index
    %get3A_16 = vector.load %arg7[%get3A, %get3A_14, %get3A_15] : memref<4x1024x768xf32, #tpu.memory_space<vmem>>, vector<1x1024x768xf32>
    %get3A_17 = vector.shape_cast %get3A_16 : vector<1x1024x768xf32> to vector<1024x768xf32>
    %get3A_18 = arith.constant 0 : index
    %get3A_19 = arith.constant 0 : index
    %get3A_20 = arith.constant 0 : index
    %get3A_21 = vector.load %arg5[%get3A_18, %get3A_19, %get3A_20] : memref<1x1024x1xi32, #tpu.memory_space<vmem>>, vector<1x1024x1xi32>
    %get3A_22 = vector.shape_cast %get3A_21 : vector<1x1024x1xi32> to vector<1024x1xi32>
    %iota3A = tpu.iota {dimensions = array<i32: 1>} : vector<1024x8xi32>
    %eq3A_23 = vector.broadcast %get3A_22 : vector<1024x1xi32> to vector<1024x8xi32>
    %eq3A_24 = arith.cmpi eq, %eq3A_23, %iota3A : vector<1024x8xi32>
    %convert_element_type3A_25 = arith.extui %eq3A_24 : vector<1024x8xi1> to vector<1024x8xi32>
    %convert_element_type3A_26 = arith.sitofp %convert_element_type3A_25 : vector<1024x8xi32> to vector<1024x8xf32>
    %dot_general3A = arith.constant dense<0.000000e+00> : vector<8x768xf32>
    %dot_general3A_27 = tpu.matmul %convert_element_type3A_26, %get3A_17, %dot_general3A {dimension_numbers = #tpu.dot_dimension_numbers<[0], [0], [1], [1], [0, 1, 1, 1], [], []>, transpose_lhs_hint = false} : vector<1024x8xf32>, vector<1024x768xf32>, vector<8x768xf32> -> vector<8x768xf32>
    %broadcast_in_dim3A = arith.constant 1.000000e+00 : f32
    %broadcast_in_dim3A_28 = vector.broadcast %broadcast_in_dim3A : f32 to vector<1024x8xf32>
    %dot_general3A_29 = arith.constant dense<0.000000e+00> : vector<8x8xf32>
    %dot_general3A_30 = tpu.matmul %convert_element_type3A_26, %broadcast_in_dim3A_28, %dot_general3A_29 {dimension_numbers = #tpu.dot_dimension_numbers<[0], [0], [1], [1], [0, 1, 1, 1], [], []>, transpose_lhs_hint = false} : vector<1024x8xf32>, vector<1024x8xf32>, vector<8x8xf32> -> vector<8x8xf32>
    %eq3A_31 = arith.constant 0 : i32
    %eq3A_32 = arith.cmpi eq, %arg1, %eq3A_31 : i32
    %convert_element_type3A_33 = arith.extui %eq3A_32 : i1 to i32
    %cond3A_34 = arith.constant 0 : i32
    %cond3A_35 = arith.cmpi ne, %convert_element_type3A_33, %cond3A_34 : i32
    scf.if %cond3A_35 {
      %swap3A = arith.constant 0 : index
      %swap3A_51 = arith.constant 0 : index
      %swap3A_52 = vector.load %arg8[%swap3A, %swap3A_51] : memref<8x768xf32, #tpu.memory_space<vmem>>, vector<8x768xf32>
      tpu.vector_store %arg8[%swap3A, %swap3A_51], %dot_general3A_27 {strides = array<i32>} : memref<8x768xf32, #tpu.memory_space<vmem>>, vector<8x768xf32>,
      %swap3A_53 = arith.constant 0 : index
      %swap3A_54 = arith.constant 0 : index
      %swap3A_55 = vector.load %arg9[%swap3A_53, %swap3A_54] : memref<8x8xf32, #tpu.memory_space<vmem>>, vector<8x8xf32>
      tpu.vector_store %arg9[%swap3A_53, %swap3A_54], %dot_general3A_30 {strides = array<i32>} : memref<8x8xf32, #tpu.memory_space<vmem>>, vector<8x8xf32>,
    } else {
    }
    %ne3A = arith.constant 0 : i32
    %ne3A_36 = arith.cmpi ne, %arg1, %ne3A : i32
    %convert_element_type3A_37 = arith.extui %ne3A_36 : i1 to i32
    %cond3A_38 = arith.constant 0 : i32
    %cond3A_39 = arith.cmpi ne, %convert_element_type3A_37, %cond3A_38 : i32
    scf.if %cond3A_39 {
      %get3A_51 = arith.constant 0 : index
      %get3A_52 = arith.constant 0 : index
      %get3A_53 = vector.load %arg8[%get3A_51, %get3A_52] : memref<8x768xf32, #tpu.memory_space<vmem>>, vector<8x768xf32>
      %add3A_54 = arith.addf %get3A_53, %dot_general3A_27 : vector<8x768xf32>
      %swap3A = arith.constant 0 : index
      %swap3A_55 = arith.constant 0 : index
      %swap3A_56 = vector.load %arg8[%swap3A, %swap3A_55] : memref<8x768xf32, #tpu.memory_space<vmem>>, vector<8x768xf32>
      tpu.vector_store %arg8[%swap3A, %swap3A_55], %add3A_54 {strides = array<i32>} : memref<8x768xf32, #tpu.memory_space<vmem>>, vector<8x768xf32>,
      %get3A_57 = arith.constant 0 : index
      %get3A_58 = arith.constant 0 : index
      %get3A_59 = vector.load %arg9[%get3A_57, %get3A_58] : memref<8x8xf32, #tpu.memory_space<vmem>>, vector<8x8xf32>
      %add3A_60 = arith.addf %get3A_59, %dot_general3A_30 : vector<8x8xf32>
      %swap3A_61 = arith.constant 0 : index
      %swap3A_62 = arith.constant 0 : index
      %swap3A_63 = vector.load %arg9[%swap3A_61, %swap3A_62] : memref<8x8xf32, #tpu.memory_space<vmem>>, vector<8x8xf32>
      tpu.vector_store %arg9[%swap3A_61, %swap3A_62], %add3A_60 {strides = array<i32>} : memref<8x8xf32, #tpu.memory_space<vmem>>, vector<8x8xf32>,
    } else {
    }
    %add3A_40 = arith.constant 4 : i32
    %add3A_41 = arith.addi %add3A, %add3A_40 : i32
    %lt3A = arith.constant 32 : i32
    %lt3A_42 = arith.cmpi slt, %add3A_41, %lt3A : i32
    %convert_element_type3A_43 = arith.extui %lt3A_42 : i1 to i32
    %cond3A_44 = arith.constant 0 : i32
    %cond3A_45 = arith.cmpi ne, %convert_element_type3A_43, %cond3A_44 : i32
    scf.if %cond3A_45 {
      %div3A = arith.constant 4 : i32
      %div3A_51 = arith.divsi %add3A_41, %div3A : i32
      %rem3A_52 = arith.constant 4 : i32
      %rem3A_53 = arith.remsi %add3A_41, %rem3A_52 : i32
      %mul3A_54 = arith.constant 1024 : i32
      %mul3A_55 = arith.muli %rem3A_53, %mul3A_54 : i32
      %dma_start3A = tpu.memref_slice %arg10[%rem3A_3] : memref<4x!tpu.dma_semaphore, #tpu.memory_space<semaphore_mem>> -> memref<1x!tpu.dma_semaphore, #tpu.memory_space<semaphore_mem>>
      %dma_start3A_56 = tpu.memref_squeeze %dma_start3A : memref<1x!tpu.dma_semaphore, #tpu.memory_space<semaphore_mem>> -> memref<!tpu.dma_semaphore, #tpu.memory_space<semaphore_mem>>
      %dma_start3A_57 = arith.constant 0 : i32
      %dma_start3A_58 = arith.constant 0 : i32
      %dma_start3A_59 = tpu.memref_slice %arg7[%rem3A_3, %dma_start3A_57, %dma_start3A_58] : memref<4x1024x768xf32, #tpu.memory_space<vmem>> -> memref<1x1024x768xf32, #tpu.memory_space<vmem>>
      %dma_start3A_60 = tpu.memref_squeeze %dma_start3A_59 : memref<1x1024x768xf32, #tpu.memory_space<vmem>> -> memref<1024x768xf32, #tpu.memory_space<vmem>>
      %dma_start3A_61 = arith.constant 0 : i32
      %dma_start3A_62 = tpu.memref_slice %arg4[%div3A_51, %mul3A_55, %dma_start3A_61] : memref<8x4096x768xf32, #tpu.memory_space<any>> -> memref<1x1024x768xf32, #tpu.memory_space<any>>
      %dma_start3A_63 = tpu.memref_squeeze %dma_start3A_62 : memref<1x1024x768xf32, #tpu.memory_space<any>> -> memref<1024x768xf32, #tpu.memory_space<any>>
      tpu.enqueue_dma source(%dma_start3A_63 : memref<1024x768xf32, #tpu.memory_space<any>>) target(%dma_start3A_60 : memref<1024x768xf32, #tpu.memory_space<vmem>>) target_semaphore(%dma_start3A_56 : memref<!tpu.dma_semaphore, #tpu.memory_space<semaphore_mem>>)
    } else {
    }
    %eq3A_46 = arith.constant 3 : i32
    %eq3A_47 = arith.cmpi eq, %arg1, %eq3A_46 : i32
    %convert_element_type3A_48 = arith.extui %eq3A_47 : i1 to i32
    %cond3A_49 = arith.constant 0 : i32
    %cond3A_50 = arith.cmpi ne, %convert_element_type3A_48, %cond3A_49 : i32
    scf.if %cond3A_50 {
      %get3A_51 = arith.constant 0 : index
      %get3A_52 = arith.constant 0 : index
      %get3A_53 = vector.load %arg9[%get3A_51, %get3A_52] : memref<8x8xf32, #tpu.memory_space<vmem>>, vector<8x1xf32>
      %max3A = arith.constant 1.000000e+00 : f32
      %max3A_54 = vector.broadcast %max3A : f32 to vector<8x1xf32>
      %max3A_55 = arith.maximumf %get3A_53, %max3A_54 : vector<8x1xf32>
      %get3A_56 = arith.constant 0 : index
      %get3A_57 = arith.constant 0 : index
      %get3A_58 = vector.load %arg8[%get3A_56, %get3A_57] : memref<8x768xf32, #tpu.memory_space<vmem>>, vector<8x768xf32>
      %div3A = vector.broadcast %max3A_55 : vector<8x1xf32> to vector<8x768xf32>
      %div3A_59 = arith.divf %get3A_58, %div3A : vector<8x768xf32>
      %get3A_60 = arith.constant 0 : index
      %get3A_61 = arith.constant 0 : index
      %get3A_62 = vector.load %arg2[%get3A_60, %get3A_61] : memref<768x2xf32, #tpu.memory_space<vmem>>, vector<768x2xf32>
      %dot_general3A_63 = arith.constant dense<0.000000e+00> : vector<8x2xf32>
      %dot_general3A_64 = tpu.matmul %div3A_59, %get3A_62, %dot_general3A_63 {dimension_numbers = #tpu.dot_dimension_numbers<[1], [0], [0], [1], [0, 0, 1, 1], [], []>, transpose_lhs_hint = false} : vector<8x768xf32>, vector<768x2xf32>, vector<8x2xf32> -> vector<8x2xf32>
      %get3A_65 = arith.constant 0 : index
      %get3A_66 = arith.constant 0 : index
      %get3A_67 = vector.load %arg3[%get3A_65, %get3A_66] : memref<1x2xf32, #tpu.memory_space<vmem>>, vector<1x2xf32>
      %add3A_68 = vector.broadcast %get3A_67 : vector<1x2xf32> to vector<8x2xf32>
      %add3A_69 = arith.addf %dot_general3A_64, %add3A_68 : vector<8x2xf32>
      %jit3A = arith.constant 0 : i32
      %convert_element_type3A_70 = arith.sitofp %jit3A : i32 to f32
      %pad3A = vector.broadcast %convert_element_type3A_70 : f32 to vector<8x126xf32>
      %pad3A_71 = tpu.concatenate %add3A_69, %pad3A in 1 : vector<8x2xf32>, vector<8x126xf32> -> vector<8x128xf32>
      %swap3A = arith.constant 0 : index
      %swap3A_72 = arith.constant 0 : index
      %swap3A_73 = arith.constant 0 : index
      %swap3A_74 = vector.load %arg6[%swap3A, %swap3A_72, %swap3A_73] : memref<1x8x128xf32, #tpu.memory_space<vmem>>, vector<1x8x128xf32>
      %swap3A_75 = vector.shape_cast %swap3A_74 : vector<1x8x128xf32> to vector<8x128xf32>
      %swap3A_76 = vector.shape_cast %pad3A_71 : vector<8x128xf32> to vector<1x8x128xf32>
      tpu.vector_store %arg6[%swap3A, %swap3A_72, %swap3A_73], %swap3A_76 {strides = array<i32>} : memref<1x8x128xf32, #tpu.memory_space<vmem>>, vector<1x8x128xf32>,
    } else {
    }
    return
  }
  func.func @transform_0(%arg0: i32, %arg1: i32) -> (i32, i32) {
    %c0_i32 = arith.constant 0 : i32
    %c0_i32_0 = arith.constant 0 : i32
    %c0_i32_1 = arith.constant 0 : i32
    return %c0_i32, %c0_i32_0 : i32, i32
  }
  func.func @transform_1(%arg0: i32, %arg1: i32) -> (i32, i32) {
    %c0_i32 = arith.constant 0 : i32
    %c0_i32_0 = arith.constant 0 : i32
    %c0_i32_1 = arith.constant 0 : i32
    return %c0_i32, %c0_i32_0 : i32, i32
  }
  func.func @transform_3(%arg0: i32, %arg1: i32) -> (i32, i32, i32) {
    %c0_i32 = arith.constant 0 : i32
    %c0_i32_0 = arith.constant 0 : i32
    return %arg0, %arg1, %c0_i32 : i32, i32, i32
  }
  func.func @transform_4(%arg0: i32, %arg1: i32) -> (i32, i32, i32) {
    %c0_i32 = arith.constant 0 : i32
    %c0_i32_0 = arith.constant 0 : i32
    %c0_i32_1 = arith.constant 0 : i32
    return %arg0, %c0_i32, %c0_i32_0 : i32, i32, i32
  }
}

</mosaic_0001>

<sc_bundles>
// kernel: kernel.4.cloned.1.call-start
scs
__scs_entry_jumppad:
0x0: {  	(pc) =	sbr.rel $0x88, $3  }
0x1: {  	(tag) =	ssettag $0x0;
	lr =	simm.s32 $0x1  }
0x2: {  	[smem:$0x3F9D] =	sst lr;
	_ =	strace $0xD0000000  }
0x3: {  	_ = 	snop  }
0x4: {  	_ = 	snop  }
0x5: {  	_ = 	snop  }
0x6: {  	_ = 	snop  }
0x7: {  	_ = 	snop  }
__scs_overlays_trampoline_lowered:
0x8: {  	[smem:$0x3FAC] =	sst s0  }
0x9: {  	[smem:$0x3FAD] =	sst s1  }
0xa: {  	[smem:$0x3FAE] =	sst s2  }
0xb: {  	[smem:$0x3FAF] =	sst s3  }
0xc: {  	[smem:$0x3FB0] =	sst s4  }
0xd: {  	[smem:$0x3FB1] =	sst s5  }
0xe: {  	[smem:$0x3FB2] =	sst s6  }
0xf: {  	[smem:$0x3FB3] =	sst s7  }
0x10: {  	[smem:$0x3FB4] =	sst s8  }
0x11: {  	[smem:$0x3FB5] =	sst s9;
	s0 =	simm.s32 @!p0 $0x0  }
0x12: {  	s1 =	sld [smem:$0x3F9B];
	s0 =	simm.s32 @p0 $0x1  }
0x13: {  	[smem:$0x3FB6] =	sst s0;
	s0 =	simm.s32 @!p1 $0x0  }
0x14: {  	s2 =	sld [smem:$0x3F9A];
	s0 =	simm.s32 @p1 $0x1  }
0x15: {  	[smem:$0x3FB7] =	sst s0;
	s0 =	simm.s32 @!p2 $0x0  }
0x16: {  	s3 =	sld [smem:$0x3FDB];
	s0 =	simm.s32 @p2 $0x1  }
0x17: {  	s4 =	simm.s32 $0x1BF5;
	[smem:$0x3FB9] =	sst s0  }
0x18: {  	s0 =	sld [smem:$0x3F9C];
	_ =	swait.ge [sflag:s4], $0x0  }
0x19: {  	s7 =	sld [smem:$0x3F9D]  }
0x1a: {  	s8 =	sadd.s32 $0xFFFFE003, lr  }
0x1b: {  	s9 =	sadd.s32 $0xFFFFFEF7, lr;
	s5 =	simm.s32 $0xFFFFFFFF;
	p2 =	slt.u32 s8, $0xFFFFF086  }
0x1c: {  	p1 =	slt.u32 s9, $0xF7A;
	s5 =	simm.s32 @!p2 $0x0  }
0x1d: {  	s5 =	simm.s32 @p1 $0x1;
	p0 =	seq.s32 s7, s2  }
0x1e: {  	s7 =	smul.u32 @!p0 $0xF7A, s2;
	p2 =	seq.s32 @!p0 s5, $0x0  }
0x1f: {  	s9 =	smul.u32 $0xF7A, s1;
	s8 =	simm.s32 @!p0 $0x1BF5;
	p2 =	por !p2, p0  }
0x20: {  	[sflag:s8] =	ssyncset.s32 @!p0 $0xFFFFF086;
	s6 =	sadd.s32 @!p0 s3, s7;
	s7 =	simm.s32 @!p0 $0x108  }
0x21: {  	s3 =	sadd.s32 s3, s9;
	s6 =	sadd.s32 @!p0 $0x88, s6;
	s7 =	simm.s32 @p2 $0x1082  }
0x22: {  	[simem:s7], [sflag:s8] =	dma.local @!p0 [hbm:s6], $0xF7A  }
0x23: {  	s9 =	sor.u32 $0xD0000000, s2;
	s6 =	simm.s32 $0x108;
	_ =	swait.ge @!p0 [sflag:s8], $0x0  }
0x24: {  	s3 =	sadd.s32 $0x88, s3;
	s6 =	simm.s32 @!p1 $0x1082;
	[sflag:s4] =	ssyncset.s32 $0xFFFFF086  }
0x25: {  	[simem:s6], [sflag:s4] =	dma.local [hbm:s3], $0xF7A  }
0x26: {  	[smem:$0x3F9D] =	sst s1;
	(tag) =	ssettag s2;
	_ =	strace s9  }
0x27: {  	s1 =	sld [smem:$0x3FAD]  }
0x28: {  	s2 =	sld [smem:$0x3FAE]  }
0x29: {  	s4 =	sld [smem:$0x3FB0]  }
0x2a: {  	p0 =	seq.s32 s5, $0x0;
	s5 =	sld [smem:$0x3FB1]  }
0x2b: {  	s6 =	sld [smem:$0x3FB2]  }
0x2c: {  	s7 =	sld [smem:$0x3FB3]  }
0x2d: {  	s3 =	simm.s32 $0x108;
	s8 =	sld [smem:$0x3FB4]  }
0x2e: {  	s3 =	simm.s32 @!p0 $0x1082;
	s9 =	sld [smem:$0x3FB5]  }
0x2f: {  	lr =	sadd.s32 s0, s3;
	s0 =	sld [smem:$0x3FAC]  }
0x30: {  	s3 =	sld [smem:$0x3FAF]  }
0x31: {  	[smem:$0x3FB8] =	sst s10  }
0x32: {  	s10 =	sld [smem:$0x3FB6];
	_ =	sdelay $0x3  }
0x33: {  	p0 =	seq.s32 s10, $0x1;
	s10 =	sld [smem:$0x3FB8];
	_ =	sdelay $0x3  }
0x34: {  	[smem:$0x3FB8] =	sst s10  }
0x35: {  	s10 =	sld [smem:$0x3FB7];
	_ =	sdelay $0x3  }
0x36: {  	p1 =	seq.s32 s10, $0x1;
	s10 =	sld [smem:$0x3FB8];
	_ =	sdelay $0x3  }
0x37: {  	[smem:$0x3FB8] =	sst s10  }
0x38: {  	s10 =	sld [smem:$0x3FB9]  }
0x39: {  	_ = 	snop;
	(pc) =	sbr.ind lr, $3  }
0x3a: {  	_ = 	snop  }
0x3b: {  	_ = 	snop  }
0x3c: {  	p2 =	seq.s32 s10, $0x1;
	s10 =	sld [smem:$0x3FB8]  }
0x3d: {  	_ =	shalt  }
0x3e: {  	_ =	shalt  }
0x3f: {  	_ =	shalt  }
0x40: {  	_ =	shalt  }
0x41: {  	_ =	shalt  }
0x42: {  	_ =	shalt  }
0x43: {  	_ =	shalt  }
0x44: {  	_ =	shalt  }
0x45: {  	_ =	shalt  }
0x46: {  	_ =	shalt  }
0x47: {  	_ =	shalt  }
0x48: {  	_ =	shalt  }
0x49: {  	_ =	shalt  }
0x4a: {  	_ =	shalt  }
0x4b: {  	_ =	shalt  }
0x4c: {  	_ =	shalt  }
0x4d: {  	_ =	shalt  }
0x4e: {  	_ =	shalt  }
0x4f: {  	_ =	shalt  }
0x50: {  	_ =	shalt  }
0x51: {  	_ =	shalt  }
0x52: {  	_ =	shalt  }
0x53: {  	_ =	shalt  }
0x54: {  	_ =	shalt  }
0x55: {  	_ =	shalt  }
0x56: {  	_ =	shalt  }
0x57: {  	_ =	shalt  }
0x58: {  	_ =	shalt  }
0x59: {  	_ =	shalt  }
0x5a: {  	_ =	shalt  }
0x5b: {  	_ =	shalt  }
0x5c: {  	_ =	shalt  }
0x5d: {  	_ =	shalt  }
0x5e: {  	_ =	shalt  }
0x5f: {  	_ =	shalt  }
0x60: {  	_ =	shalt  }
0x61: {  	_ =	shalt  }
0x62: {  	_ =	shalt  }
0x63: {  	_ =	shalt  }
0x64: {  	_ =	shalt  }
0x65: {  	_ =	shalt  }
0x66: {  	_ =	shalt  }
0x67: {  	_ =	shalt  }
0x68: {  	_ =	shalt  }
0x69: {  	_ =	shalt  }
0x6a: {  	_ =	shalt  }
0x6b: {  	_ =	shalt  }
0x6c: {  	_ =	shalt  }
0x6d: {  	_ =	shalt  }
0x6e: {  	_ =	shalt  }
0x6f: {  	_ =	shalt  }
0x70: {  	_ =	shalt  }
0x71: {  	_ =	shalt  }
0x72: {  	_ =	shalt  }
0x73: {  	_ =	shalt  }
0x74: {  	_ =	shalt  }
0x75: {  	_ =	shalt  }
0x76: {  	_ =	shalt  }
0x77: {  	_ =	shalt  }
0x78: {  	_ =	shalt  }
0x79: {  	_ =	shalt  }
0x7a: {  	_ =	shalt  }
0x7b: {  	_ =	shalt  }
0x7c: {  	_ =	shalt  }
0x7d: {  	_ =	shalt  }
0x7e: {  	_ =	shalt  }
0x7f: {  	_ =	shalt  }
0x80: {  	_ =	shalt  }
0x81: {  	_ =	shalt  }
0x82: {  	_ =	shalt  }
0x83: {  	_ =	shalt  }
0x84: {  	_ =	shalt  }
0x85: {  	_ =	shalt  }
0x86: {  	_ =	shalt  }
0x87: {  	_ =	shalt  }
.Lfunc_end0:
.L_simem_size_0:
called_computation_lowered:
.L_overlay_start_0:
0x88: {  	s2 =	sld [smem:$0x3FD9]  }
0x89: {  	s3 =	sld [smem:$0x3FFE];
	_ =	sdelay $0x1  }
0x8a: {  	s1 =	srdreg.scid  }
0x8b: {  	s0 =	sand.u32 $0x1, s1  }
0x8c: {  	s14 =	sshll.u32 s0, $0xA;
	s2 =	sadd.s32 s3, s2  }
0x8d: {  	s2 =	sadd.s32 s2, s14  }
0x8e: {  	[smem:$0x3FC4] =	sst s2  }
0x8f: {  	_ = 	snop  }
0x90: {  	s2 =	sld [smem:$0x3FD0];
	_ =	sdelay $0x2  }
0x91: {  	s15 =	simm.s32 $0xA;
	s4 =	simm.s32 $0x10  }
0x92: {  	[smem:s4], [sflag:s15] =	dma.local [hbm:s2], $0x1  }
0x93: {  	_ =	swait.eq [sflag:s15], $0x1  }
0x94: {  	[sflag:s15] =	ssyncset.done $0x0  }
0x95: {  	[sflag:s15] =	ssyncadd.s32 $0xFFFFFFFF  }
0x96: {  	s16 =	sld [smem:$0x10];
	(tm) =	ssettm $0x1  }
0x97: {  	s17 =	sld [smem:$0x3FFB];
	_ =	sdelay $0x3  }
0x98: {  	_ =	strace s17  }
0x99: {  	s3 =	sld [smem:$0x3FFC];
	_ =	sdelay $0x3  }
0x9a: {  	_ =	strace s3  }
0x9b: {  	s3 =	sld [smem:$0x3FFD];
	_ =	sdelay $0x3  }
0x9c: {  	_ =	strace s3  }
0x9d: {  	_ =	strace $0x8FFFFFFF  }
0x9e: {  	s18 =	sld [smem:$0x3FDB];
	_ =	sdelay $0x1  }
0x9f: {  	s19 =	simm.s32 $_scs_section_size  }
0xa0: {  	s5 =	simm.s32 $_size__tile_overlayer_lowered;
	s6 =	simm.s32 $_tile_overlayer_lowered  }
0xa1: {  	s22 =	simm.s32 $0x1BFF;
	s21 =	sshll.u32 s6, $0x1;
	s3 =	sadd.s32 s19, s18  }
0xa2: {  	s7 =	simm.s32 $0x0;
	s20 =	sshll.u32 s5, $0x1;
	s5 =	sadd.s32 s21, s3  }
0xa3: {  	[timem:s7], [sflag:s22] =	dma.local [hbm:s5], s20  }
0xa4: {  	_ =	swait.ge [sflag:s22], s20  }
0xa5: {  	s4 =	ssub.s32 $0x0, s20;
	[sflag:s22] =	ssyncset.done $0x0  }
0xa6: {  	[sflag:s22] =	ssyncadd.s32 s4;
	_ =	sdelay $0x1  }
0xa7: {  	s23 =	simm.s32 $0x1B8B  }
0xa8: {  	_ =	swait.ge [sflag:s23], $0x1  }
0xa9: {  	[sflag:s23] =	ssyncset.done $0x0  }
0xaa: {  	s25 =	simm.s32 $0x1B8E;
	s24 =	sld [smem:$0x3FFE];
	[sflag:s23] =	ssyncadd.s32 $0xFFFFFFFF  }
0xab: {  	s26 =	simm.s32 $execute0_lowered;
	[smem:$0x3FD2] =	sst s25  }
0xac: {  	s5 =	sshll.u32 s26, $0x1;
	_ =	strace $0x80000046;
	[dreg:$0x1] =	wrdreg $0xFFFFFFFF  }
0xad: {  	s28 =	simm.s32 $_size_execute0_lowered;
	s3 =	sadd.s32 s3, s5;
	[dreg:$0x0] =	wrdreg $0x0  }
0xae: {  	s5 =	sshll.u32 s28, $0x1;
	[dreg:$0x2] =	wrdreg s3  }
0xaf: {  	[dreg:$0x3] =	wrdreg s5  }
0xb0: {  	[dreg:$0x4] =	wrdreg $0xC0  }
0xb1: {  	_ =	task [dreg:s7], $0x5FFFF  }
0xb2: {  	[dreg:$0x1] =	wrdreg $0xFFFFFFFF  }
0xb3: {  	[dreg:$0x0] =	wrdreg $0x60  }
0xb4: {  	[dreg:$0x2] =	wrdreg s24  }
0xb5: {  	[dreg:$0x3] =	wrdreg s16  }
0xb6: {  	[dreg:$0x4] =	wrdreg $0x9  }
0xb7: {  	_ =	task.clear_ibuf [dreg:s7], $0x5FFFF;
	_ =	strace $0x90000046  }
0xb8: {  	s29 =	simm.s32 $0x9;
	_ =	strace $0x80000048  }
0xb9: {  	_ =	swait.ge [sflag:s29], $0x1  }
0xba: {  	[sflag:s29] =	ssyncadd.s32 $0xFFFFFFFF  }
0xbb: {  	_ =	strace $0x90000048  }
0xbc: {  	_ =	sfence  }
0xbd: {  	s30 =	sld [smem:$0x0];
	_ =	sdelay $0x2  }
0xbe: {  	s31 =	sshll.u32 s1, $0xD;
	s1 =	sshrl.u32 s1, $0x2  }
0xbf: {  	s3 =	sand.u32 $0x4000, s31;
	s1 =	sadd.s32 s1, s30  }
0xc0: {  	s0 =	sor.u32 s3, s0;
	s1 =	sshll.u32 s1, $0x11  }
0xc1: {  	s0 =	sor.u32 s1, s0  }
0xc2: {  	s0 =	sadd.s32 $0x8F2B, s0  }
0xc3: {  	[sflag:s0] =	ssyncadd.remote.s32 $0x1  }
0xc4: {  	_ =	sfence.sel $0xFFFF  }
0xc5: {  	[dreg:$0x0] =	wrdreg $0xFFFFFFFF;
	(pc) =	sbr.abs _section_cstart, $3  }
0xc6: {  	[dreg:$0x1] =	wrdreg $0xFFFFFFFF  }
0xc7: {  	_ =	task.clear_ibuf [dreg:s7], $0x2FFFF;
	_ =	strace $0x9FFFFFFF  }
0xc8: {  	(tm) =	ssettm $0x7FFFFFFF  }
0xc9: {  	_ =	shalt  }
tec
execute0_lowered:
.L_overlay_start_1:
0x0: {  	(tag) =	ssettag $0x1  }
0x1: {  	s1 =	stileid.u32  }
0x2: {  	p0 =	sgt.u32 s1, $0x3  }
.Ltmp0:
0x3: {  	_ = 	snop;
	(pc) =	sbr.rel @p0 .LBB2_4-.Ltmp0, $4  }
0x4: {  	s7 =	rddreg [dreg:$0x0]  }
0x5: {  	s5 =	rddreg [dreg:$0x1];
	s2 =	simm.s32 $0x0  }
0x6: {  	[smem:$0x7FF] =	sst s2  }
0x7: {  	s0 =	rddreg [dreg:$0x2];
	_ =	strace $0x80000047  }
0x8: {  	s3 =	srdreg.scid  }
0x9: {  	s6 =	sand.u32 $0x1, s3  }
0xa: {  	s3 =	sshll.u32 s6, $0x2  }
0xb: {  	v0 =	vlaneseq.u32;
	s8 =	sadd.s32 s1, s3  }
0xc: {  	s29 =	sadd.s32 $0xC00, s7;
	v1 =	vmul.u32 $0x80, v0;
	s4 =	sshll.u32 s8, $0x7  }
0xd: {  	s3 =	simm.s32 $0x1;
	s4 =	sadd.s32 s29, s4  }
0xe: {  	v2 =	vor.u32 $0x1, v1;
	[tilespmem:s2], [sflag:$0x1] =	stream.linear.gather [hbm4b:s4+s2], $0x400, $0x38;
	[tilespmem:$0x480] =	vst v63  }
0xf: {  	_ =	swait.ge [sflag:s3], $0x400  }
0x10: {  	[sflag:s3] =	ssyncset.done $0x0  }
0x11: {  	[sflag:s3] =	ssyncadd.s32 $0xFFFFFC00  }
0x12: {  	v3 =	vld.idx.msk [tilespmem:v1+s2+$0x0], $0xffff  }
0x13: {  	v4 =	vld.idx.msk [tilespmem:v2+s2+$0x0], $0xffff;
	_ =	sdelay $0x4  }
0x14: {  	v5 =	vmax.f32 v3, v4  }
0x15: {  	v6 =	vsub.f32 v3, v5  }
0x16: {  	v5 =	vsub.f32 v4, v5  }
0x17: {  	v6 =	vmul.f32 $1.442695020e+00, v6  }
0x18: {  	v5 =	vmul.f32 $1.442695020e+00, v5  }
0x19: {  	(erf) = vpow2.f32 v6  }
0x1a: {  	(erf) = vpow2.f32 v5;
	_ =	sdelay $0x7  }
0x1b: {  	v61 =	vpop (erf)  }
0x1c: {  	v62 =	vpop (erf)  }
0x1d: {  	v5 =	vadd.f32 v62, v61;
	_ =	sdelay $0x1  }
0x1e: {  	(erf) = vrcp.f32 v5;
	_ =	sdelay $0x8  }
0x1f: {  	v5 =	vpop (erf)  }
0x20: {  	v5 =	vmul.f32 v5, v62  }
0x21: {  	vm0 =	vmmov $0xff  }
0x22: {  	v6 =	vnsel vm0, $0xBF800000, v5  }
0x23: {  	(xrf0) =	vmax.scan.msk.f32 $0xffff, v6;
	_ =	sdelay $0x5  }
0x24: {  	v7, _, _ =	vpop (xrf0)  }
0x25: {  	(v2sf) =	vpush v7, $0xF;
	_ =	sdelay $0x4  }
0x26: {  	v8 =	vnsel vm0, $0x40000000, v5  }
0x27: {  	(xrf0) =	vmin.scan.msk.f32 $0xffff, v8;
	_ =	sdelay $0x5  }
0x28: {  	v9, _, _ =	vpop (xrf0)  }
0x29: {  	v7 =	vbroadcast v7, $0xF;
	v9 =	vbroadcast v9, $0xF;
	_ =	sdelay $0x1  }
0x2a: {  	vm1 =	veq.f32 v6, v7;
	vm2 =	veq.f32 v8, v9;
	s9 =	spop (v2sf)  }
0x2b: {  	v6 =	vmctz.xlane vm1;
	v63 =	vmctz.xlane vm2;
	p0 =	slt.f32 s9, $8.000000110e-01;
	_ =	sdelay $0x1  }
0x2c: {  	v6 =	vpsel p0, v63, v6  }
0x2d: {  	vm1 =	veq.s32 v6, v0  }
0x2e: {  	v3 =	vnsel vm1, $0xFF61B1E6, v3  }
0x2f: {  	v4 =	vnsel vm1, $0xFF61B1E6, v4;
	(xrf0) =	vmax.scan.msk.f32 $0xffff, v3  }
0x30: {  	(xrf0) =	vmax.scan.msk.f32 $0xffff, v4;
	_ =	sdelay $0x4  }
0x31: {  	v3, _, _ =	vpop (xrf0)  }
0x32: {  	v4, _, _ =	vpop (xrf0)  }
0x33: {  	s30 =	ssub.s32 $0x2, s6;
	v4 =	vbroadcast v4, $0xF  }
0x34: {  	s10 =	sshrl.u32 s30, $0x1;
	vm1 =	vcmask $0x704;
	v3 =	vbroadcast v3, $0xF  }
0x35: {  	vm2 =	vcmask $0x3F04;
	s9 =	ssub.s32 s30, s10;
	v4 =	vnsel vm1, $0x0, v4  }
0x36: {  	s8 =	sshll.u32 s8, $0x1;
	s9 =	smax.u32 s9, $0x1;
	v3 =	vsel vm2, v4, v3  }
0x37: {  	s6 =	simm.s32 $0x400;
	s5 =	sadd.s32 s5, s8;
	p0 =	sne.s32 s9, $0x1;
	[tilespmem:$0x400] =	vst v3  }
0x38: {  	[hbm4b:s5+s2] =	stream.linear.scatter [tilespmem:s6], [sflag:$0x1], $0x10, $0x38;
	[tilespmem:$0x480] =	vst v63  }
.Ltmp1:
0x39: {  	_ = 	snop;
	(pc) =	sbr.rel @!p0 .LBB2_3-.Ltmp1, $4  }
0x3a: {  	_ =	swait.ge [sflag:s3], $0x10  }
0x3b: {  	[sflag:s3] =	ssyncset.done $0x0  }
0x3c: {  	s31 =	sadd.s32 s8, s7;
	v3 =	vnsel vm0, $0x0, v5;
	[sflag:s3] =	ssyncadd.s32 $0xFFFFFFF0  }
0x3d: {  	s7 =	sadd.s32 $0x1000, s31;
	s8 =	sadd.s32 $0xFFFFFFFF, s9;
	[tilespmem:$0x400] =	vst v3  }
.LBB2_2:
0x3e: {  	[hbm4b:s7+s2] =	stream.linear.scatter [tilespmem:s6], [sflag:$0x1], $0x10, $0x38;
	[tilespmem:$0x480] =	vst v63  }
0x3f: {  	p0 =	sne.s32 s8, $0x1;
	s8 =	sadd.s32 $0xFFFFFFFF, s8;
	_ =	swait.ge [sflag:s3], $0x10  }
0x40: {  	[sflag:s3] =	ssyncset.done $0x0  }
0x41: {  	[sflag:s3] =	ssyncadd.s32 $0xFFFFFFF0  }
0x42: {  	[tilespmem:s2], [sflag:$0x1] =	stream.linear.gather [hbm4b:s4+s2], $0x400, $0x38;
	[tilespmem:$0x480] =	vst v63  }
0x43: {  	_ =	swait.ge [sflag:s3], $0x400  }
0x44: {  	[sflag:s3] =	ssyncset.done $0x0  }
0x45: {  	[sflag:s3] =	ssyncadd.s32 $0xFFFFFC00  }
0x46: {  	v3 =	vld.idx.msk [tilespmem:v1+s2+$0x0], $0xffff  }
0x47: {  	v4 =	vld.idx.msk [tilespmem:v2+s2+$0x0], $0xffff;
	_ =	sdelay $0x5  }
0x48: {  	v5 =	vmax.f32 v3, v4  }
0x49: {  	v6 =	vsub.f32 v3, v5;
	v5 =	vsub.f32 v4, v5;
	_ =	sdelay $0x1  }
0x4a: {  	v6 =	vmul.f32 $1.442695020e+00, v6;
	v5 =	vmul.f32 $1.442695020e+00, v5;
	_ =	sdelay $0x1  }
0x4b: {  	(erf) = vpow2.f32 v6  }
0x4c: {  	(erf) = vpow2.f32 v5;
	_ =	sdelay $0x7  }
0x4d: {  	v5 =	vpop (erf)  }
0x4e: {  	v6 =	vpop (erf)  }
0x4f: {  	v5 =	vadd.f32 v6, v5;
	_ =	sdelay $0x1  }
0x50: {  	(erf) = vrcp.f32 v5;
	_ =	sdelay $0x8  }
0x51: {  	v5 =	vpop (erf)  }
0x52: {  	v5 =	vmul.f32 v5, v6;
	_ =	sdelay $0x1  }
0x53: {  	v6 =	vnsel vm0, $0xBF800000, v5;
	v7 =	vnsel vm0, $0x40000000, v5  }
0x54: {  	(xrf0) =	vmax.scan.msk.f32 $0xffff, v6  }
0x55: {  	(xrf0) =	vmin.scan.msk.f32 $0xffff, v7;
	_ =	sdelay $0x4  }
0x56: {  	v8, _, _ =	vpop (xrf0)  }
0x57: {  	v9 =	vbroadcast v8, $0xF;
	(v2sf) =	vpush v8, $0xF;
	v8, _, _ =	vpop (xrf0)  }
0x58: {  	v8 =	vbroadcast v8, $0xF  }
0x59: {  	vm3 =	veq.f32 v6, v9  }
0x5a: {  	vm4 =	veq.f32 v7, v8;
	_ =	sdelay $0xa  }
0x5b: {  	v6 =	vmctz.xlane vm3;
	v7 =	vmctz.xlane vm4  }
0x5c: {  	s9 =	spop (v2sf)  }
0x5d: {  	p1 =	slt.f32 s9, $8.000000110e-01;
	_ =	sdelay $0x1  }
0x5e: {  	v6 =	vpsel p1, v7, v6  }
0x5f: {  	vm3 =	veq.s32 v6, v0  }
0x60: {  	v3 =	vnsel vm3, $0xFF61B1E6, v3;
	v4 =	vnsel vm3, $0xFF61B1E6, v4  }
0x61: {  	(xrf0) =	vmax.scan.msk.f32 $0xffff, v3  }
0x62: {  	(xrf0) =	vmax.scan.msk.f32 $0xffff, v4;
	_ =	sdelay $0x4  }
0x63: {  	v3, _, _ =	vpop (xrf0)  }
0x64: {  	v4, _, _ =	vpop (xrf0)  }
0x65: {  	v3 =	vbroadcast v3, $0xF;
	v4 =	vbroadcast v4, $0xF;
	_ =	sdelay $0x1  }
0x66: {  	v4 =	vnsel vm1, $0x0, v4  }
0x67: {  	v3 =	vsel vm2, v4, v3  }
0x68: {  	[tilespmem:$0x400] =	vst v3  }
0x69: {  	[hbm4b:s5+s2] =	stream.linear.scatter [tilespmem:s6], [sflag:$0x1], $0x10, $0x38;
	[tilespmem:$0x480] =	vst v63  }
.Ltmp2:
0x6a: {  	v3 =	vnsel vm0, $0x0, v5;
	(pc) =	sbr.rel @p0 .LBB2_2-.Ltmp2, $4  }
0x6b: {  	_ =	swait.ge [sflag:s3], $0x10  }
0x6c: {  	[sflag:s3] =	ssyncset.done $0x0  }
0x6d: {  	[sflag:s3] =	ssyncadd.s32 $0xFFFFFFF0  }
0x6e: {  	[tilespmem:$0x400] =	vst v3  }
.LBB2_3:
0x6f: {  	[hbm4b:s7+s2] =	stream.linear.scatter [tilespmem:s6], [sflag:$0x1], $0x10, $0x38;
	[tilespmem:$0x480] =	vst v63  }
0x70: {  	_ =	swait.ge [sflag:s3], $0x10  }
0x71: {  	[sflag:s3] =	ssyncset.done $0x0  }
0x72: {  	[sflag:s3] =	ssyncadd.s32 $0xFFFFFFF0  }
.LBB2_4:
0x73: {  	_ =	sfence.sel $0x180000  }
0x74: {  	[bflag:$0x0] =	sbarrier.arrive $0xFFFF  }
0x75: {  	p0 =	sne.s32 s1, $0x0;
	_ =	strace $0x90000047  }
0x76: {  	s0 =	sadd.s32 @!p0 $0x100000, s0;
	[bflag:$0x2] =	sbarrier.arrive $0xFFFF  }
0x77: {  	[sflag:s0] =	ssyncadd.tile.s32 @!p0 $0x1;
	_ =	shalt  }
.Lfunc_end2:
_tile_overlayer_lowered:
.L_overlay_start_2:
0x78: {  	(tag) =	ssettag $0x2  }
0x79: {  	s0 =	rddreg [dreg:$0x0];
	s2 =	stileid.u32  }
0x7a: {  	s1 =	rddreg [dreg:$0x1];
	p0 =	sne.s32 s2, $0x0  }
0x7b: {  	s3 =	rddreg [dreg:$0x2];
	[bflag:$0x3] =	sbarrier.arrive $0xFFFF;
	s2 =	simm.s32 @!p0 $0x1C01  }
0x7c: {  	[timem:s3], [sflag:s2] =	dma.local @!p0 [hbm:s0], s1  }
0x7d: {  	s0 =	simm.s32 @!p0 $0x1  }
0x7e: {  	_ =	swait.ge @!p0 [sflag:s0], s1  }
0x7f: {  	s1 =	ssub.s32 @!p0 $0x0, s1;
	[sflag:s0] =	ssyncset.done @!p0 $0x0  }
0x80: {  	[sflag:s0] =	ssyncadd.s32 @!p0 s1  }
0x81: {  	[bflag:$0x3] =	sbarrier.arrive $0xFFFF  }
0x82: {  	_ =	shalt  }

</sc_bundles>
